<compile_context>
chip_gen: v7x
topology: tpu7x:2x2x1
jax: 0.10.2.dev20260603
libtpu: 0.0.44.dev20260713+nightly
codegen_flags: <defaults>
</compile_context>

<pallas_src>
import jax
import jax.numpy as jnp
from jax import lax
from jax.experimental import pallas as pl
from jax.experimental.pallas import tpu as pltpu
from jax.experimental.pallas import tpu_sc as plsc

_N_EMO = 4096
_L = 32
_NW = 16
_RPW = _N_EMO // _NW


def _sc_body(pa_hbm, cpt_hbm, st_hbm, out_hbm, cpt_v, st_v, prods_v):
    sid = lax.axis_index("s")
    base = sid * _RPW
    pltpu.sync_copy(cpt_hbm.at[pl.ds(base, _RPW), :], cpt_v)
    pltpu.sync_copy(st_hbm.at[pl.ds(base, _RPW), :], st_v)
    v = cpt_v[0, pl.ds(0, 16)] + st_v[0, pl.ds(0, 16)]
    for k in range(_RPW // 16):
        prods_v[pl.ds(16 * k, 16)] = v
    pltpu.sync_copy(prods_v, out_hbm.at[pl.ds(base, _RPW)])


def kernel(prob_all_au, EMO2AU_cpt, static_EMO2AU_cpt, neg_static_EMO2AU_cpt,
           prob_AU, static_prob_AU, loc1, loc2):
    pa = prob_all_au.reshape(2 * _L)
    mesh = plsc.VectorSubcoreMesh(core_axis_name="c", subcore_axis_name="s",
                                  num_cores=1)
    f = pl.kernel(
        _sc_body, mesh=mesh,
        out_type=jax.ShapeDtypeStruct((_N_EMO,), jnp.float32),
        scratch_types=[
            pltpu.VMEM((_RPW, _L), jnp.float32),
            pltpu.VMEM((_RPW, _L), jnp.float32),
            pltpu.VMEM((_RPW,), jnp.float32),
        ],
        compiler_params=pltpu.CompilerParams(needs_layout_passes=False),
    )
    out = f(pa, EMO2AU_cpt, static_EMO2AU_cpt)
    return out.reshape(1, _N_EMO)

# --- scband reference (transcript-rebuilt; emitter-appended) ---
"""Pipeline reference for scband-update-graph-v2-29025388986859 (READ-ONLY COPY).

The authoritative reference and input builder live on the scoring server;
editing this copy changes nothing except your own understanding.
"""

import jax, jax.numpy as jnp
import numpy as np

N_EMO = 4096
N_AU = 64
L = 32
ZERO_PAD = 1e-05


def setup_inputs(seed: int = 0):
    key = jax.random.key(seed)
    k1, k2, k3 = jax.random.split(key, 3)
    EMO2AU_full = jax.random.uniform(k1, (N_EMO, N_AU), minval=0.6, maxval=0.95, dtype=jnp.float32)
    EMO2AU_full = jnp.where(EMO2AU_full > 0, EMO2AU_full, ZERO_PAD)
    prob_AU_full = jax.random.uniform(k2, (N_AU,), minval=0.6, maxval=0.95, dtype=jnp.float32)
    prob_all_au = jax.random.uniform(k3, (N_AU, 1), dtype=jnp.float32)
    loc1 = jnp.arange(0, L, dtype=jnp.int32)
    loc2 = jnp.arange(L, N_AU, dtype=jnp.int32)
    return {
        'prob_all_au': prob_all_au,
        'EMO2AU_cpt': EMO2AU_full[:, loc1],
        'static_EMO2AU_cpt': EMO2AU_full[:, loc2],
        'neg_static_EMO2AU_cpt': 1.0 - EMO2AU_full[:, loc2],
        'prob_AU': prob_AU_full[loc1],
        'static_prob_AU': prob_AU_full[loc2],
        'loc1': loc1,
        'loc2': loc2,
    }


def _get_mask(prob_all_au, n_emo):
    occ_mask1 = (prob_all_au > 0.6).astype(jnp.float32)
    neg_mask1 = 1.0 - occ_mask1
    occ_mask2 = jnp.tile(occ_mask1.reshape(1, -1), (n_emo, 1))
    neg_mask2 = jnp.tile(neg_mask1.reshape(1, -1), (n_emo, 1))
    return occ_mask1, neg_mask1, occ_mask2, neg_mask2


def reference(prob_all_au, EMO2AU_cpt, static_EMO2AU_cpt, neg_static_EMO2AU_cpt, prob_AU, static_prob_AU, loc1, loc2):
    zeroPad = ZERO_PAD
    neg_EMO2AU_cpt = 1.0 - EMO2AU_cpt
    neg_EMO2AU_cpt = jnp.where(neg_EMO2AU_cpt > 0, neg_EMO2AU_cpt, zeroPad)
    p1 = prob_all_au[loc1, :]
    p2 = prob_all_au[loc2, :]
    n_emo = EMO2AU_cpt.shape[0]

    occ_mask1, neg_mask1, occ_mask2, neg_mask2 = _get_mask(p1, n_emo)
    EMO2AU_weight = occ_mask2 * EMO2AU_cpt + neg_mask2 * neg_EMO2AU_cpt
    AU_weight = occ_mask1.reshape(prob_AU.shape) / prob_AU * p1.reshape(prob_AU.shape) + neg_mask1.reshape(prob_AU.shape) / prob_AU
    AU_weight = jnp.tile(AU_weight.reshape(1, -1), (EMO2AU_weight.shape[0], 1))
    weight1 = EMO2AU_weight * AU_weight

    occ_mask1, neg_mask1, occ_mask2, neg_mask2 = _get_mask(p2, n_emo)
    EMO2AU_weight = occ_mask2 * static_EMO2AU_cpt + neg_mask2 * neg_static_EMO2AU_cpt
    AU_weight = occ_mask1.reshape(static_prob_AU.shape) / static_prob_AU + neg_mask1.reshape(static_prob_AU.shape) / static_prob_AU
    AU_weight = jnp.tile(AU_weight.reshape(1, -1), (EMO2AU_weight.shape[0], 1))
    weight2 = EMO2AU_weight * AU_weight

    prob_emo = jnp.prod(weight1, axis=1) * jnp.prod(weight2, axis=1)
    out1 = prob_emo.reshape(-1, weight1.shape[0])
    denom = jnp.maximum(jnp.sum(jnp.abs(out1), axis=1, keepdims=True), 1e-12)
    out2 = out1 / denom
    return out2

if __name__ == "__main__":
    import jax
    _d = setup_inputs()
    print(jax.jit(kernel)(*tuple(_d.values())))

</pallas_src>

<mosaic_0001>
#map = affine_map<(d0, d1) -> (0)>
#map1 = affine_map<(d0, d1) -> (0, 0)>
module attributes {stable_mosaic.version = 14 : i64} {
  func.func @_sc_body(%arg0: i32, %arg1: i32, %arg2: memref<64xf32, #tpu.memory_space<hbm>>, %arg3: memref<4096x32xf32, #tpu.memory_space<hbm>>, %arg4: memref<4096x32xf32, #tpu.memory_space<hbm>>, %arg5: memref<4096xf32, #tpu.memory_space<hbm>>, %arg6: memref<256x32xf32, #tpu.memory_space<vmem>>, %arg7: memref<256x32xf32, #tpu.memory_space<vmem>>, %arg8: memref<256xf32, #tpu.memory_space<vmem>>) attributes {dimension_semantics = [#tpu.dimension_semantics<core_parallel>, #tpu.dimension_semantics<subcore_parallel>], iteration_bounds = array<i64: 1, 16>, scalar_prefetch = 0 : i64, scratch_operands = 3 : i64, tpu.core_type = #tpu.core_type<sc_vector_subcore>, window_params = [{transform_indices = #map}, {transform_indices = #map1}, {transform_indices = #map1}, {transform_indices = #map}]} {
    %mul3A = arith.constant 256 : i32
    %mul3A_0 = arith.muli %arg1, %mul3A : i32
    "tpu.region"() ({
      %run_scoped3A = tpu.sem_alloc : memref<!tpu.dma_semaphore, #tpu.memory_space<semaphore_mem>>
      %dma_start3A = arith.constant 0 : i32
      %dma_start3A_39 = tpu.memref_slice %arg3[%mul3A_0, %dma_start3A] : memref<4096x32xf32, #tpu.memory_space<hbm>> -> memref<256x32xf32, #tpu.memory_space<hbm>>
      %dma_start3A_40 = arith.constant 0 : i32
      %dma_start3A_41 = tpu.memref_slice %arg3[%mul3A_0, %dma_start3A_40] : memref<4096x32xf32, #tpu.memory_space<hbm>> -> memref<256x32xf32, #tpu.memory_space<hbm>>
      tpu.enqueue_dma source(%dma_start3A_41 : memref<256x32xf32, #tpu.memory_space<hbm>>) target(%arg6 : memref<256x32xf32, #tpu.memory_space<vmem>>) target_semaphore(%run_scoped3A : memref<!tpu.dma_semaphore, #tpu.memory_space<semaphore_mem>>)
      %dma_wait3A = arith.constant 0 : i32
      %dma_wait3A_42 = tpu.memref_slice %arg3[%mul3A_0, %dma_wait3A] : memref<4096x32xf32, #tpu.memory_space<hbm>> -> memref<256x32xf32, #tpu.memory_space<hbm>>
      %dma_wait3A_43 = arith.constant 0 : i32
      %dma_wait3A_44 = tpu.memref_slice %arg3[%mul3A_0, %dma_wait3A_43] : memref<4096x32xf32, #tpu.memory_space<hbm>> -> memref<256x32xf32, #tpu.memory_space<hbm>>
      tpu.wait_dma2 semaphore(%run_scoped3A : memref<!tpu.dma_semaphore, #tpu.memory_space<semaphore_mem>>) src(%dma_wait3A_44 : memref<256x32xf32, #tpu.memory_space<hbm>>) dst(%arg6 : memref<256x32xf32, #tpu.memory_space<vmem>>)
      tpu.yield
    }) : () -> ()
    "tpu.region"() ({
      %run_scoped3A = tpu.sem_alloc : memref<!tpu.dma_semaphore, #tpu.memory_space<semaphore_mem>>
      %dma_start3A = arith.constant 0 : i32
      %dma_start3A_39 = tpu.memref_slice %arg4[%mul3A_0, %dma_start3A] : memref<4096x32xf32, #tpu.memory_space<hbm>> -> memref<256x32xf32, #tpu.memory_space<hbm>>
      %dma_start3A_40 = arith.constant 0 : i32
      %dma_start3A_41 = tpu.memref_slice %arg4[%mul3A_0, %dma_start3A_40] : memref<4096x32xf32, #tpu.memory_space<hbm>> -> memref<256x32xf32, #tpu.memory_space<hbm>>
      tpu.enqueue_dma source(%dma_start3A_41 : memref<256x32xf32, #tpu.memory_space<hbm>>) target(%arg7 : memref<256x32xf32, #tpu.memory_space<vmem>>) target_semaphore(%run_scoped3A : memref<!tpu.dma_semaphore, #tpu.memory_space<semaphore_mem>>)
      %dma_wait3A = arith.constant 0 : i32
      %dma_wait3A_42 = tpu.memref_slice %arg4[%mul3A_0, %dma_wait3A] : memref<4096x32xf32, #tpu.memory_space<hbm>> -> memref<256x32xf32, #tpu.memory_space<hbm>>
      %dma_wait3A_43 = arith.constant 0 : i32
      %dma_wait3A_44 = tpu.memref_slice %arg4[%mul3A_0, %dma_wait3A_43] : memref<4096x32xf32, #tpu.memory_space<hbm>> -> memref<256x32xf32, #tpu.memory_space<hbm>>
      tpu.wait_dma2 semaphore(%run_scoped3A : memref<!tpu.dma_semaphore, #tpu.memory_space<semaphore_mem>>) src(%dma_wait3A_44 : memref<256x32xf32, #tpu.memory_space<hbm>>) dst(%arg7 : memref<256x32xf32, #tpu.memory_space<vmem>>)
      tpu.yield
    }) : () -> ()
    %get3A = arith.constant 0 : i32
    %get3A_1 = arith.index_cast %get3A : i32 to index
    %get3A_2 = arith.constant 0 : index
    %get3A_3 = tpu.vector_load %arg6[%get3A_1, %get3A_2] {strides = array<i32>} : memref<256x32xf32, #tpu.memory_space<vmem>>, vector<16xf32>,
    %get3A_4 = arith.constant 0 : i32
    %get3A_5 = arith.index_cast %get3A_4 : i32 to index
    %get3A_6 = arith.constant 0 : index
    %get3A_7 = tpu.vector_load %arg7[%get3A_5, %get3A_6] {strides = array<i32>} : memref<256x32xf32, #tpu.memory_space<vmem>>, vector<16xf32>,
    %add3A = arith.addf %get3A_3, %get3A_7 : vector<16xf32>
    %swap3A = arith.constant 0 : index
    %swap3A_8 = tpu.vector_load %arg8[%swap3A] {strides = array<i32>} : memref<256xf32, #tpu.memory_space<vmem>>, vector<16xf32>,
    tpu.vector_store %arg8[%swap3A], %add3A {strides = array<i32>} : memref<256xf32, #tpu.memory_space<vmem>>, vector<16xf32>,
    %swap3A_9 = arith.constant 16 : index
    %swap3A_10 = tpu.vector_load %arg8[%swap3A_9] {strides = array<i32>} : memref<256xf32, #tpu.memory_space<vmem>>, vector<16xf32>,
    tpu.vector_store %arg8[%swap3A_9], %add3A {strides = array<i32>} : memref<256xf32, #tpu.memory_space<vmem>>, vector<16xf32>,
    %swap3A_11 = arith.constant 32 : index
    %swap3A_12 = tpu.vector_load %arg8[%swap3A_11] {strides = array<i32>} : memref<256xf32, #tpu.memory_space<vmem>>, vector<16xf32>,
    tpu.vector_store %arg8[%swap3A_11], %add3A {strides = array<i32>} : memref<256xf32, #tpu.memory_space<vmem>>, vector<16xf32>,
    %swap3A_13 = arith.constant 48 : index
    %swap3A_14 = tpu.vector_load %arg8[%swap3A_13] {strides = array<i32>} : memref<256xf32, #tpu.memory_space<vmem>>, vector<16xf32>,
    tpu.vector_store %arg8[%swap3A_13], %add3A {strides = array<i32>} : memref<256xf32, #tpu.memory_space<vmem>>, vector<16xf32>,
    %swap3A_15 = arith.constant 64 : index
    %swap3A_16 = tpu.vector_load %arg8[%swap3A_15] {strides = array<i32>} : memref<256xf32, #tpu.memory_space<vmem>>, vector<16xf32>,
    tpu.vector_store %arg8[%swap3A_15], %add3A {strides = array<i32>} : memref<256xf32, #tpu.memory_space<vmem>>, vector<16xf32>,
    %swap3A_17 = arith.constant 80 : index
    %swap3A_18 = tpu.vector_load %arg8[%swap3A_17] {strides = array<i32>} : memref<256xf32, #tpu.memory_space<vmem>>, vector<16xf32>,
    tpu.vector_store %arg8[%swap3A_17], %add3A {strides = array<i32>} : memref<256xf32, #tpu.memory_space<vmem>>, vector<16xf32>,
    %swap3A_19 = arith.constant 96 : index
    %swap3A_20 = tpu.vector_load %arg8[%swap3A_19] {strides = array<i32>} : memref<256xf32, #tpu.memory_space<vmem>>, vector<16xf32>,
    tpu.vector_store %arg8[%swap3A_19], %add3A {strides = array<i32>} : memref<256xf32, #tpu.memory_space<vmem>>, vector<16xf32>,
    %swap3A_21 = arith.constant 112 : index
    %swap3A_22 = tpu.vector_load %arg8[%swap3A_21] {strides = array<i32>} : memref<256xf32, #tpu.memory_space<vmem>>, vector<16xf32>,
    tpu.vector_store %arg8[%swap3A_21], %add3A {strides = array<i32>} : memref<256xf32, #tpu.memory_space<vmem>>, vector<16xf32>,
    %swap3A_23 = arith.constant 128 : index
    %swap3A_24 = tpu.vector_load %arg8[%swap3A_23] {strides = array<i32>} : memref<256xf32, #tpu.memory_space<vmem>>, vector<16xf32>,
    tpu.vector_store %arg8[%swap3A_23], %add3A {strides = array<i32>} : memref<256xf32, #tpu.memory_space<vmem>>, vector<16xf32>,
    %swap3A_25 = arith.constant 144 : index
    %swap3A_26 = tpu.vector_load %arg8[%swap3A_25] {strides = array<i32>} : memref<256xf32, #tpu.memory_space<vmem>>, vector<16xf32>,
    tpu.vector_store %arg8[%swap3A_25], %add3A {strides = array<i32>} : memref<256xf32, #tpu.memory_space<vmem>>, vector<16xf32>,
    %swap3A_27 = arith.constant 160 : index
    %swap3A_28 = tpu.vector_load %arg8[%swap3A_27] {strides = array<i32>} : memref<256xf32, #tpu.memory_space<vmem>>, vector<16xf32>,
    tpu.vector_store %arg8[%swap3A_27], %add3A {strides = array<i32>} : memref<256xf32, #tpu.memory_space<vmem>>, vector<16xf32>,
    %swap3A_29 = arith.constant 176 : index
    %swap3A_30 = tpu.vector_load %arg8[%swap3A_29] {strides = array<i32>} : memref<256xf32, #tpu.memory_space<vmem>>, vector<16xf32>,
    tpu.vector_store %arg8[%swap3A_29], %add3A {strides = array<i32>} : memref<256xf32, #tpu.memory_space<vmem>>, vector<16xf32>,
    %swap3A_31 = arith.constant 192 : index
    %swap3A_32 = tpu.vector_load %arg8[%swap3A_31] {strides = array<i32>} : memref<256xf32, #tpu.memory_space<vmem>>, vector<16xf32>,
    tpu.vector_store %arg8[%swap3A_31], %add3A {strides = array<i32>} : memref<256xf32, #tpu.memory_space<vmem>>, vector<16xf32>,
    %swap3A_33 = arith.constant 208 : index
    %swap3A_34 = tpu.vector_load %arg8[%swap3A_33] {strides = array<i32>} : memref<256xf32, #tpu.memory_space<vmem>>, vector<16xf32>,
    tpu.vector_store %arg8[%swap3A_33], %add3A {strides = array<i32>} : memref<256xf32, #tpu.memory_space<vmem>>, vector<16xf32>,
    %swap3A_35 = arith.constant 224 : index
    %swap3A_36 = tpu.vector_load %arg8[%swap3A_35] {strides = array<i32>} : memref<256xf32, #tpu.memory_space<vmem>>, vector<16xf32>,
    tpu.vector_store %arg8[%swap3A_35], %add3A {strides = array<i32>} : memref<256xf32, #tpu.memory_space<vmem>>, vector<16xf32>,
    %swap3A_37 = arith.constant 240 : index
    %swap3A_38 = tpu.vector_load %arg8[%swap3A_37] {strides = array<i32>} : memref<256xf32, #tpu.memory_space<vmem>>, vector<16xf32>,
    tpu.vector_store %arg8[%swap3A_37], %add3A {strides = array<i32>} : memref<256xf32, #tpu.memory_space<vmem>>, vector<16xf32>,
    "tpu.region"() ({
      %run_scoped3A = tpu.sem_alloc : memref<!tpu.dma_semaphore, #tpu.memory_space<semaphore_mem>>
      %dma_start3A = tpu.memref_slice %arg5[%mul3A_0] : memref<4096xf32, #tpu.memory_space<hbm>> -> memref<256xf32, #tpu.memory_space<hbm>>
      %dma_start3A_39 = tpu.memref_slice %arg5[%mul3A_0] : memref<4096xf32, #tpu.memory_space<hbm>> -> memref<256xf32, #tpu.memory_space<hbm>>
      tpu.enqueue_dma source(%arg8 : memref<256xf32, #tpu.memory_space<vmem>>) target(%dma_start3A_39 : memref<256xf32, #tpu.memory_space<hbm>>) target_semaphore(%run_scoped3A : memref<!tpu.dma_semaphore, #tpu.memory_space<semaphore_mem>>)
      %dma_wait3A = tpu.memref_slice %arg5[%mul3A_0] : memref<4096xf32, #tpu.memory_space<hbm>> -> memref<256xf32, #tpu.memory_space<hbm>>
      %dma_wait3A_40 = tpu.memref_slice %arg5[%mul3A_0] : memref<4096xf32, #tpu.memory_space<hbm>> -> memref<256xf32, #tpu.memory_space<hbm>>
      tpu.wait_dma2 semaphore(%run_scoped3A : memref<!tpu.dma_semaphore, #tpu.memory_space<semaphore_mem>>) src(%arg8 : memref<256xf32, #tpu.memory_space<vmem>>) dst(%dma_wait3A_40 : memref<256xf32, #tpu.memory_space<hbm>>)
      tpu.yield
    }) : () -> ()
    return
  }
}

</mosaic_0001>

<sc_bundles>
// kernel: kernel.3.cloned.1.call-start
scs
__scs_entry_jumppad:
0x0: {  	(pc) =	sbr.rel $0x88, $3  }
0x1: {  	(tag) =	ssettag $0x0;
	lr =	simm.s32 $0x1  }
0x2: {  	[smem:$0x3F9E] =	sst lr;
	_ =	strace $0xD0000000  }
0x3: {  	_ = 	snop  }
0x4: {  	_ = 	snop  }
0x5: {  	_ = 	snop  }
0x6: {  	_ = 	snop  }
0x7: {  	_ = 	snop  }
__scs_overlays_trampoline_lowered:
0x8: {  	[smem:$0x3FAD] =	sst s0  }
0x9: {  	[smem:$0x3FAE] =	sst s1  }
0xa: {  	[smem:$0x3FAF] =	sst s2  }
0xb: {  	[smem:$0x3FB0] =	sst s3  }
0xc: {  	[smem:$0x3FB1] =	sst s4  }
0xd: {  	[smem:$0x3FB2] =	sst s5  }
0xe: {  	[smem:$0x3FB3] =	sst s6  }
0xf: {  	[smem:$0x3FB4] =	sst s7  }
0x10: {  	[smem:$0x3FB5] =	sst s8  }
0x11: {  	[smem:$0x3FB6] =	sst s9;
	s0 =	simm.s32 @!p0 $0x0  }
0x12: {  	s1 =	sld [smem:$0x3F9C];
	s0 =	simm.s32 @p0 $0x1  }
0x13: {  	[smem:$0x3FB7] =	sst s0;
	s0 =	simm.s32 @!p1 $0x0  }
0x14: {  	s2 =	sld [smem:$0x3F9B];
	s0 =	simm.s32 @p1 $0x1  }
0x15: {  	[smem:$0x3FB8] =	sst s0;
	s0 =	simm.s32 @!p2 $0x0  }
0x16: {  	s3 =	sld [smem:$0x3FDB];
	s0 =	simm.s32 @p2 $0x1  }
0x17: {  	s4 =	simm.s32 $0x1BF5;
	[smem:$0x3FBA] =	sst s0  }
0x18: {  	s0 =	sld [smem:$0x3F9D];
	_ =	swait.ge [sflag:s4], $0x0  }
0x19: {  	s7 =	sld [smem:$0x3F9E]  }
0x1a: {  	s8 =	sadd.s32 $0xFFFFE003, lr  }
0x1b: {  	s9 =	sadd.s32 $0xFFFFFEF7, lr;
	s5 =	simm.s32 $0xFFFFFFFF;
	p2 =	slt.u32 s8, $0xFFFFF086  }
0x1c: {  	p1 =	slt.u32 s9, $0xF7A;
	s5 =	simm.s32 @!p2 $0x0  }
0x1d: {  	s5 =	simm.s32 @p1 $0x1;
	p0 =	seq.s32 s7, s2  }
0x1e: {  	s7 =	smul.u32 @!p0 $0xF7A, s2;
	p2 =	seq.s32 @!p0 s5, $0x0  }
0x1f: {  	s9 =	smul.u32 $0xF7A, s1;
	s8 =	simm.s32 @!p0 $0x1BF5;
	p2 =	por !p2, p0  }
0x20: {  	[sflag:s8] =	ssyncset.s32 @!p0 $0xFFFFF086;
	s6 =	sadd.s32 @!p0 s3, s7;
	s7 =	simm.s32 @!p0 $0x108  }
0x21: {  	s3 =	sadd.s32 s3, s9;
	s6 =	sadd.s32 @!p0 $0x88, s6;
	s7 =	simm.s32 @p2 $0x1082  }
0x22: {  	[simem:s7], [sflag:s8] =	dma.local @!p0 [hbm:s6], $0xF7A  }
0x23: {  	s9 =	sor.u32 $0xD0000000, s2;
	s6 =	simm.s32 $0x108;
	_ =	swait.ge @!p0 [sflag:s8], $0x0  }
0x24: {  	s3 =	sadd.s32 $0x88, s3;
	s6 =	simm.s32 @!p1 $0x1082;
	[sflag:s4] =	ssyncset.s32 $0xFFFFF086  }
0x25: {  	[simem:s6], [sflag:s4] =	dma.local [hbm:s3], $0xF7A  }
0x26: {  	[smem:$0x3F9E] =	sst s1;
	(tag) =	ssettag s2;
	_ =	strace s9  }
0x27: {  	s1 =	sld [smem:$0x3FAE]  }
0x28: {  	s2 =	sld [smem:$0x3FAF]  }
0x29: {  	s4 =	sld [smem:$0x3FB1]  }
0x2a: {  	p0 =	seq.s32 s5, $0x0;
	s5 =	sld [smem:$0x3FB2]  }
0x2b: {  	s6 =	sld [smem:$0x3FB3]  }
0x2c: {  	s7 =	sld [smem:$0x3FB4]  }
0x2d: {  	s3 =	simm.s32 $0x108;
	s8 =	sld [smem:$0x3FB5]  }
0x2e: {  	s3 =	simm.s32 @!p0 $0x1082;
	s9 =	sld [smem:$0x3FB6]  }
0x2f: {  	lr =	sadd.s32 s0, s3;
	s0 =	sld [smem:$0x3FAD]  }
0x30: {  	s3 =	sld [smem:$0x3FB0]  }
0x31: {  	[smem:$0x3FB9] =	sst s10  }
0x32: {  	s10 =	sld [smem:$0x3FB7];
	_ =	sdelay $0x3  }
0x33: {  	p0 =	seq.s32 s10, $0x1;
	s10 =	sld [smem:$0x3FB9];
	_ =	sdelay $0x3  }
0x34: {  	[smem:$0x3FB9] =	sst s10  }
0x35: {  	s10 =	sld [smem:$0x3FB8];
	_ =	sdelay $0x3  }
0x36: {  	p1 =	seq.s32 s10, $0x1;
	s10 =	sld [smem:$0x3FB9];
	_ =	sdelay $0x3  }
0x37: {  	[smem:$0x3FB9] =	sst s10  }
0x38: {  	s10 =	sld [smem:$0x3FBA]  }
0x39: {  	_ = 	snop;
	(pc) =	sbr.ind lr, $3  }
0x3a: {  	_ = 	snop  }
0x3b: {  	_ = 	snop  }
0x3c: {  	p2 =	seq.s32 s10, $0x1;
	s10 =	sld [smem:$0x3FB9]  }
0x3d: {  	_ =	shalt  }
0x3e: {  	_ =	shalt  }
0x3f: {  	_ =	shalt  }
0x40: {  	_ =	shalt  }
0x41: {  	_ =	shalt  }
0x42: {  	_ =	shalt  }
0x43: {  	_ =	shalt  }
0x44: {  	_ =	shalt  }
0x45: {  	_ =	shalt  }
0x46: {  	_ =	shalt  }
0x47: {  	_ =	shalt  }
0x48: {  	_ =	shalt  }
0x49: {  	_ =	shalt  }
0x4a: {  	_ =	shalt  }
0x4b: {  	_ =	shalt  }
0x4c: {  	_ =	shalt  }
0x4d: {  	_ =	shalt  }
0x4e: {  	_ =	shalt  }
0x4f: {  	_ =	shalt  }
0x50: {  	_ =	shalt  }
0x51: {  	_ =	shalt  }
0x52: {  	_ =	shalt  }
0x53: {  	_ =	shalt  }
0x54: {  	_ =	shalt  }
0x55: {  	_ =	shalt  }
0x56: {  	_ =	shalt  }
0x57: {  	_ =	shalt  }
0x58: {  	_ =	shalt  }
0x59: {  	_ =	shalt  }
0x5a: {  	_ =	shalt  }
0x5b: {  	_ =	shalt  }
0x5c: {  	_ =	shalt  }
0x5d: {  	_ =	shalt  }
0x5e: {  	_ =	shalt  }
0x5f: {  	_ =	shalt  }
0x60: {  	_ =	shalt  }
0x61: {  	_ =	shalt  }
0x62: {  	_ =	shalt  }
0x63: {  	_ =	shalt  }
0x64: {  	_ =	shalt  }
0x65: {  	_ =	shalt  }
0x66: {  	_ =	shalt  }
0x67: {  	_ =	shalt  }
0x68: {  	_ =	shalt  }
0x69: {  	_ =	shalt  }
0x6a: {  	_ =	shalt  }
0x6b: {  	_ =	shalt  }
0x6c: {  	_ =	shalt  }
0x6d: {  	_ =	shalt  }
0x6e: {  	_ =	shalt  }
0x6f: {  	_ =	shalt  }
0x70: {  	_ =	shalt  }
0x71: {  	_ =	shalt  }
0x72: {  	_ =	shalt  }
0x73: {  	_ =	shalt  }
0x74: {  	_ =	shalt  }
0x75: {  	_ =	shalt  }
0x76: {  	_ =	shalt  }
0x77: {  	_ =	shalt  }
0x78: {  	_ =	shalt  }
0x79: {  	_ =	shalt  }
0x7a: {  	_ =	shalt  }
0x7b: {  	_ =	shalt  }
0x7c: {  	_ =	shalt  }
0x7d: {  	_ =	shalt  }
0x7e: {  	_ =	shalt  }
0x7f: {  	_ =	shalt  }
0x80: {  	_ =	shalt  }
0x81: {  	_ =	shalt  }
0x82: {  	_ =	shalt  }
0x83: {  	_ =	shalt  }
0x84: {  	_ =	shalt  }
0x85: {  	_ =	shalt  }
0x86: {  	_ =	shalt  }
0x87: {  	_ =	shalt  }
.Lfunc_end0:
.L_simem_size_0:
called_computation_lowered:
.L_overlay_start_0:
0x88: {  	s0 =	sld [smem:$0x3FD9]  }
0x89: {  	s1 =	sld [smem:$0x3FFE];
	_ =	sdelay $0x3  }
0x8a: {  	s0 =	sadd.s32 s1, s0  }
0x8b: {  	[smem:$0x3FC5] =	sst s0  }
0x8c: {  	_ = 	snop  }
0x8d: {  	s0 =	sld [smem:$0x3FD0];
	(tm) =	ssettm $0x1  }
0x8e: {  	s16 =	sld [smem:$0x3FFB];
	_ =	sdelay $0x3  }
0x8f: {  	_ =	strace s16  }
0x90: {  	s1 =	sld [smem:$0x3FFC];
	_ =	sdelay $0x3  }
0x91: {  	_ =	strace s1  }
0x92: {  	s1 =	sld [smem:$0x3FFD];
	_ =	sdelay $0x3  }
0x93: {  	_ =	strace s1  }
0x94: {  	_ =	strace $0x8FFFFFFF  }
0x95: {  	s17 =	sld [smem:$0x3FDB];
	_ =	sdelay $0x1  }
0x96: {  	s2 =	simm.s32 $_scs_section_size  }
0x97: {  	s3 =	simm.s32 $_size__tile_overlayer_lowered;
	s4 =	simm.s32 $_tile_overlayer_lowered  }
0x98: {  	s20 =	simm.s32 $0x1BFF;
	s19 =	sshll.u32 s4, $0x1;
	s1 =	sadd.s32 s2, s17  }
0x99: {  	s5 =	simm.s32 $0x0;
	s18 =	sshll.u32 s3, $0x1;
	s3 =	sadd.s32 s19, s1  }
0x9a: {  	[timem:s5], [sflag:s20] =	dma.local [hbm:s3], s18  }
0x9b: {  	_ =	swait.ge [sflag:s20], s18  }
0x9c: {  	s2 =	ssub.s32 $0x0, s18;
	[sflag:s20] =	ssyncset.done $0x0  }
0x9d: {  	[sflag:s20] =	ssyncadd.s32 s2;
	_ =	sdelay $0x1  }
0x9e: {  	s21 =	simm.s32 $0x1B8B  }
0x9f: {  	_ =	swait.ge [sflag:s21], $0x1  }
0xa0: {  	[sflag:s21] =	ssyncset.done $0x0  }
0xa1: {  	s23 =	simm.s32 $0x1B8E;
	s22 =	sld [smem:$0x3FFE];
	[sflag:s21] =	ssyncadd.s32 $0xFFFFFFFF  }
0xa2: {  	s24 =	simm.s32 $execute0_lowered;
	[smem:$0x3FD2] =	sst s23  }
0xa3: {  	s3 =	sshll.u32 s24, $0x1;
	_ =	strace $0x80000046;
	[dreg:$0x1] =	wrdreg $0xFFFFFFFF  }
0xa4: {  	s25 =	simm.s32 $_size_execute0_lowered;
	s1 =	sadd.s32 s1, s3;
	[dreg:$0x0] =	wrdreg $0x0  }
0xa5: {  	s3 =	sshll.u32 s25, $0x1;
	[dreg:$0x2] =	wrdreg s1  }
0xa6: {  	[dreg:$0x3] =	wrdreg s3  }
0xa7: {  	[dreg:$0x4] =	wrdreg $0xC0  }
0xa8: {  	_ =	task [dreg:s5], $0x5FFFF  }
0xa9: {  	[dreg:$0x1] =	wrdreg $0xFFFFFFFF  }
0xaa: {  	[dreg:$0x0] =	wrdreg $0x60  }
0xab: {  	[dreg:$0x2] =	wrdreg s22  }
0xac: {  	[dreg:$0x3] =	wrdreg s0  }
0xad: {  	[dreg:$0x4] =	wrdreg $0x9  }
0xae: {  	_ =	task.clear_ibuf [dreg:s5], $0x5FFFF;
	_ =	strace $0x90000046  }
0xaf: {  	s26 =	simm.s32 $0x9;
	_ =	strace $0x80000048  }
0xb0: {  	_ =	swait.ge [sflag:s26], $0x1  }
0xb1: {  	[sflag:s26] =	ssyncadd.s32 $0xFFFFFFFF  }
0xb2: {  	_ =	strace $0x90000048  }
0xb3: {  	_ =	sfence  }
0xb4: {  	s28 =	sld [smem:$0x0];
	_ =	sdelay $0x1  }
0xb5: {  	s29 =	srdreg.scid  }
0xb6: {  	s30 =	sshll.u32 s29, $0xD;
	s31 =	sshrl.u32 s29, $0x2  }
0xb7: {  	s2 =	sand.u32 $0x4000, s30;
	s1 =	sand.u32 $0x1, s29;
	s0 =	sadd.s32 s31, s28  }
0xb8: {  	s1 =	sor.u32 s2, s1;
	s0 =	sshll.u32 s0, $0x11  }
0xb9: {  	s0 =	sor.u32 s0, s1  }
0xba: {  	s0 =	sadd.s32 $0x8F2B, s0  }
0xbb: {  	[sflag:s0] =	ssyncadd.remote.s32 $0x1  }
0xbc: {  	_ =	sfence.sel $0xFFFF  }
0xbd: {  	[dreg:$0x0] =	wrdreg $0xFFFFFFFF;
	(pc) =	sbr.abs _section_cstart, $3  }
0xbe: {  	[dreg:$0x1] =	wrdreg $0xFFFFFFFF  }
0xbf: {  	_ =	task.clear_ibuf [dreg:s5], $0x2FFFF;
	_ =	strace $0x9FFFFFFF  }
0xc0: {  	(tm) =	ssettm $0x7FFFFFFF  }
0xc1: {  	_ =	shalt  }
tec
execute0_lowered:
.L_overlay_start_1:
0x0: {  	(tag) =	ssettag $0x1  }
0x1: {  	s0 =	rddreg [dreg:$0x0]  }
0x2: {  	s1 =	rddreg [dreg:$0x1];
	s2 =	stileid.u32  }
0x3: {  	s3 =	rddreg [dreg:$0x2];
	s4 =	simm.s32 $0x0;
	s5 =	sshll.u32 s2, $0xC  }
0x4: {  	[smem:$0x7FF] =	sst s4;
	s0 =	sadd.s32 s5, s0  }
0x5: {  	s29 =	simm.s32 $0x1;
	_ =	strace $0x80000047;
	s5 =	sadd.s32 $0x600, s0  }
0x6: {  	[tilespmem:s4], [sflag:$0x1] =	stream.linear.gather [hbm4b:s5+s4], $0x8000, $0x38;
	[tilespmem:$0x10100] =	vst v63  }
0x7: {  	_ =	swait.ge [sflag:s29], $0x8000  }
0x8: {  	[sflag:s29] =	ssyncset.done $0x0  }
0x9: {  	s6 =	simm.s32 $0x8000;
	s0 =	sadd.s32 $0x10600, s0;
	[sflag:s29] =	ssyncadd.s32 $0xFFFF8000  }
0xa: {  	[tilespmem:s6], [sflag:$0x1] =	stream.linear.gather [hbm4b:s0+s4], $0x8000, $0x38;
	[tilespmem:$0x10100] =	vst v63  }
0xb: {  	_ =	swait.ge [sflag:s29], $0x8000  }
0xc: {  	[sflag:s29] =	ssyncset.done $0x0  }
0xd: {  	[sflag:s29] =	ssyncadd.s32 $0xFFFF8000  }
0xe: {  	v0 =	vld [tilespmem:$0x0]  }
0xf: {  	v1 =	vld [tilespmem:$0x8000];
	_ =	sdelay $0x4  }
0x10: {  	v0 =	vadd.f32 v1, v0;
	_ =	sdelay $0x1  }
0x11: {  	[tilespmem:$0x10000] =	vst v0  }
0x12: {  	[tilespmem:$0x10010] =	vst v0  }
0x13: {  	[tilespmem:$0x10020] =	vst v0  }
0x14: {  	[tilespmem:$0x10030] =	vst v0  }
0x15: {  	[tilespmem:$0x10040] =	vst v0  }
0x16: {  	[tilespmem:$0x10050] =	vst v0  }
0x17: {  	[tilespmem:$0x10060] =	vst v0  }
0x18: {  	[tilespmem:$0x10070] =	vst v0  }
0x19: {  	[tilespmem:$0x10080] =	vst v0  }
0x1a: {  	[tilespmem:$0x10090] =	vst v0  }
0x1b: {  	[tilespmem:$0x100A0] =	vst v0  }
0x1c: {  	[tilespmem:$0x100B0] =	vst v0  }
0x1d: {  	[tilespmem:$0x100C0] =	vst v0  }
0x1e: {  	[tilespmem:$0x100D0] =	vst v0  }
0x1f: {  	s30 =	sshll.u32 s2, $0x5;
	[tilespmem:$0x100E0] =	vst v0  }
0x20: {  	s31 =	simm.s32 $0x10000;
	s0 =	sadd.s32 s1, s30;
	[tilespmem:$0x100F0] =	vst v0  }
0x21: {  	[hbm4b:s0+s4] =	stream.linear.scatter [tilespmem:s31], [sflag:$0x1], $0x100, $0x38;
	[tilespmem:$0x10100] =	vst v63  }
0x22: {  	_ =	swait.ge [sflag:s29], $0x100  }
0x23: {  	[sflag:s29] =	ssyncset.done $0x0  }
0x24: {  	[sflag:s29] =	ssyncadd.s32 $0xFFFFFF00  }
0x25: {  	_ =	sfence.sel $0x180000  }
0x26: {  	[bflag:$0x0] =	sbarrier.arrive $0xFFFF  }
0x27: {  	p0 =	sne.s32 s2, $0x0;
	_ =	strace $0x90000047  }
0x28: {  	s0 =	sadd.s32 @!p0 $0x100000, s3;
	[bflag:$0x2] =	sbarrier.arrive $0xFFFF  }
0x29: {  	[sflag:s0] =	ssyncadd.tile.s32 @!p0 $0x1;
	_ =	shalt  }
.Lfunc_end2:
_tile_overlayer_lowered:
.L_overlay_start_2:
0x2a: {  	(tag) =	ssettag $0x2  }
0x2b: {  	s0 =	rddreg [dreg:$0x0];
	s2 =	stileid.u32  }
0x2c: {  	s1 =	rddreg [dreg:$0x1];
	p0 =	sne.s32 s2, $0x0  }
0x2d: {  	s3 =	rddreg [dreg:$0x2];
	[bflag:$0x3] =	sbarrier.arrive $0xFFFF;
	s2 =	simm.s32 @!p0 $0x1C01  }
0x2e: {  	[timem:s3], [sflag:s2] =	dma.local @!p0 [hbm:s0], s1  }
0x2f: {  	s0 =	simm.s32 @!p0 $0x1  }
0x30: {  	_ =	swait.ge @!p0 [sflag:s0], s1  }
0x31: {  	s1 =	ssub.s32 @!p0 $0x0, s1;
	[sflag:s0] =	ssyncset.done @!p0 $0x0  }
0x32: {  	[sflag:s0] =	ssyncadd.s32 @!p0 s1  }
0x33: {  	[bflag:$0x3] =	sbarrier.arrive $0xFFFF  }
0x34: {  	_ =	shalt  }

</sc_bundles>
